<compile_context>
chip_gen: v7x
topology: tpu7x:2x2x1
jax: 0.10.2.dev20260603
libtpu: 0.0.44.dev20260713+nightly
codegen_flags: <defaults>
</compile_context>

<pallas_src>
import functools

import jax
import jax.numpy as jnp
from jax import lax
from jax.experimental import pallas as pl
from jax.experimental.pallas import tpu as pltpu
from jax.experimental.pallas import tpu_sc as plsc

INPUT_DIM = 768
EMBED_DIM = 256
HIDDEN = 512
NUM_EMB = 8192
BATCH = 4096
COMMIT = 0.25

BM = 512
NB = BATCH // BM
DBM = 1024
DNB = BATCH // DBM
CHUNK = 1024
NCH = NUM_EMB // CHUNK

_BF = jnp.bfloat16


def _leaky(v):
    return jnp.where(v > 0, v, 0.01 * v)


def _dot(a, b):
    return jnp.dot(a.astype(_BF), b.astype(_BF),
                   preferred_element_type=jnp.float32)


def _enc_body(x_ref, we1_ref, be1_ref, we2_ref, be2_ref, cb_ref, cn_ref,
              idx_ref, ls_ref):
    h = _leaky(_dot(x_ref[...], we1_ref[...]) + be1_ref[...])
    z = _dot(h, we2_ref[...]) + be2_ref[...]
    znorm = jnp.sum(z * z, axis=1, keepdims=True)
    zm2b = (-2.0 * z).astype(_BF)
    runv = runc = None
    for c in range(NCH):
        sl = slice(c * CHUNK, (c + 1) * CHUNK)
        mm2 = lax.dot_general(zm2b, cb_ref[sl, :].astype(_BF),
                              (((1,), (1,)), ((), ())),
                              preferred_element_type=jnp.float32)
        s = (znorm + cn_ref[:, sl]) + mm2
        if c == 0:
            runv = s
            runc = jnp.zeros(s.shape, jnp.int32)
        else:
            upd = s < runv
            runv = jnp.where(upd, s, runv)
            runc = jnp.where(upd, jnp.int32(c), runc)
    gidx = runc * CHUNK + lax.broadcasted_iota(jnp.int32, runv.shape, 1)
    vmin = jnp.min(runv, axis=1, keepdims=True)
    cand = jnp.where(runv == vmin, gidx, jnp.int32(0x7FFFFFFF))
    idx_ref[...] = jnp.min(cand, axis=1)[:, None]
    ls_ref[...] = jnp.sum(vmin).reshape(1, 1, 1)


def _dec_body(zq_ref, wd1_ref, bd1_ref, wd2_ref, bd2_ref, xr_ref):
    h = _leaky(_dot(zq_ref[...], wd1_ref[...]) + bd1_ref[...])
    xr_ref[...] = _dot(h, wd2_ref[...]) + bd2_ref[...]


def _sc_gather(codebook, idx):
    info = plsc.get_sparse_core_info()
    nw = info.num_cores * info.num_subcores
    b_per_w = BATCH // nw
    mesh = plsc.VectorSubcoreMesh(core_axis_name="c", subcore_axis_name="s")

    @functools.partial(
        pl.kernel,
        out_type=jax.ShapeDtypeStruct((BATCH, EMBED_DIM), jnp.float32),
        mesh=mesh,
        scratch_types=[
            pltpu.VMEM((b_per_w,), jnp.int32),
            pltpu.VMEM((b_per_w, EMBED_DIM), jnp.float32),
            pltpu.SemaphoreType.DMA,
        ],
    )
    def gather_kernel(table_hbm, idx_hbm, out_hbm, idx_v, rows_v, sem):
        wid = lax.axis_index("s") * info.num_cores + lax.axis_index("c")
        pltpu.sync_copy(idx_hbm.at[pl.ds(wid * b_per_w, b_per_w)], idx_v)
        pltpu.async_copy(table_hbm.at[idx_v], rows_v, sem).wait()
        pltpu.sync_copy(rows_v, out_hbm.at[pl.ds(wid * b_per_w, b_per_w)])

    return gather_kernel(codebook, idx)


def kernel(x, W_e1, b_e1, W_e2, b_e2, codebook, W_d1, b_d1, W_d2, b_d2):
    cn = jnp.sum(codebook * codebook, axis=1)[None, :]
    full = lambda shape: pl.BlockSpec(shape, lambda i: (0,) * len(shape))

    idx, ls = pl.pallas_call(
        _enc_body,
        grid=(NB,),
        in_specs=[
            pl.BlockSpec((BM, INPUT_DIM), lambda i: (i, 0)),
            full((INPUT_DIM, HIDDEN)),
            full((HIDDEN,)),
            full((HIDDEN, EMBED_DIM)),
            full((EMBED_DIM,)),
            full((NUM_EMB, EMBED_DIM)),
            full((1, NUM_EMB)),
        ],
        out_specs=[
            pl.BlockSpec((BM, 1), lambda i: (i, 0)),
            pl.BlockSpec((1, 1, 1), lambda i: (i, 0, 0)),
        ],
        out_shape=[
            jax.ShapeDtypeStruct((BATCH, 1), jnp.int32),
            jax.ShapeDtypeStruct((NB, 1, 1), jnp.float32),
        ],
        compiler_params=pltpu.CompilerParams(
            dimension_semantics=("parallel",)),
    )(x, W_e1, b_e1, W_e2, b_e2, codebook, cn)

    zq = _sc_gather(codebook, idx.reshape(BATCH))

    xr = pl.pallas_call(
        _dec_body,
        grid=(DNB,),
        in_specs=[
            pl.BlockSpec((DBM, EMBED_DIM), lambda i: (i, 0)),
            full((EMBED_DIM, HIDDEN)),
            full((HIDDEN,)),
            full((HIDDEN, INPUT_DIM)),
            full((INPUT_DIM,)),
        ],
        out_specs=pl.BlockSpec((DBM, INPUT_DIM), lambda i: (i, 0)),
        out_shape=jax.ShapeDtypeStruct((BATCH, INPUT_DIM), jnp.float32),
        compiler_params=pltpu.CompilerParams(
            dimension_semantics=("parallel",)),
    )(zq, W_d1, b_d1, W_d2, b_d2)

    vq_loss = (1.0 + COMMIT) * jnp.sum(ls) / (BATCH * EMBED_DIM)
    return xr, vq_loss

# --- scband reference (transcript-rebuilt; emitter-appended) ---
"""Pipeline reference for scband-vqvae-25503515804101 (READ-ONLY COPY).

The authoritative reference and input builder live on the scoring server;
editing this copy changes nothing except your own understanding.
"""

import jax, jax.numpy as jnp
import numpy as np

INPUT_DIM = 768
EMBED_DIM = 256
NUM_EMBEDDINGS = 8192
COMMITMENT_COST = 0.25
BATCH = 4096


def _leaky_relu(v):
    return jnp.where(v > 0, v, 0.01 * v)


def setup_inputs(seed: int = 0) -> dict:
    key = jax.random.key(seed)
    ks = jax.random.split(key, 10)
    x = jax.random.normal(ks[0], (BATCH, INPUT_DIM), dtype=jnp.float32)
    h = 2 * EMBED_DIM
    W_e1 = jax.random.normal(ks[1], (INPUT_DIM, h), dtype=jnp.float32) * (1.0 / np.sqrt(INPUT_DIM))
    b_e1 = jnp.zeros((h,), dtype=jnp.float32)
    W_e2 = jax.random.normal(ks[2], (h, EMBED_DIM), dtype=jnp.float32) * (1.0 / np.sqrt(h))
    b_e2 = jnp.zeros((EMBED_DIM,), dtype=jnp.float32)
    codebook = jax.random.normal(ks[3], (NUM_EMBEDDINGS, EMBED_DIM), dtype=jnp.float32) * (1.0 / np.sqrt(EMBED_DIM))
    W_d1 = jax.random.normal(ks[4], (EMBED_DIM, h), dtype=jnp.float32) * (1.0 / np.sqrt(EMBED_DIM))
    b_d1 = jnp.zeros((h,), dtype=jnp.float32)
    W_d2 = jax.random.normal(ks[5], (h, INPUT_DIM), dtype=jnp.float32) * (1.0 / np.sqrt(h))
    b_d2 = jnp.zeros((INPUT_DIM,), dtype=jnp.float32)
    return {"x": x, "W_e1": W_e1, "b_e1": b_e1, "W_e2": W_e2, "b_e2": b_e2,
            "codebook": codebook, "W_d1": W_d1, "b_d1": b_d1, "W_d2": W_d2, "b_d2": b_d2}


def reference(x, W_e1, b_e1, W_e2, b_e2, codebook, W_d1, b_d1, W_d2, b_d2):
    # Encoder: Linear -> LeakyReLU -> Linear
    z = _leaky_relu(x @ W_e1 + b_e1) @ W_e2 + b_e2
    # Vector quantizer: nearest codebook entry by squared L2 distance
    d2 = (jnp.sum(z * z, axis=1, keepdims=True)
          + jnp.sum(codebook * codebook, axis=1)[None, :]
          - 2.0 * (z @ codebook.T))
    encoding_indices = jnp.argmin(d2, axis=1)
    z_q = jnp.take(codebook, encoding_indices, axis=0)
    # VQ loss: codebook loss + commitment loss
    vq_loss = (jnp.mean((jax.lax.stop_gradient(z) - z_q) ** 2)
               + COMMITMENT_COST * jnp.mean((z - jax.lax.stop_gradient(z_q)) ** 2))
    # Straight-through estimator
    z_st = z + jax.lax.stop_gradient(z_q - z)
    # Decoder: Linear -> LeakyReLU -> Linear
    x_reconstructed = _leaky_relu(z_st @ W_d1 + b_d1) @ W_d2 + b_d2
    return (x_reconstructed, vq_loss)

if __name__ == "__main__":
    import jax
    _d = setup_inputs()
    print(jax.jit(kernel)(*tuple(_d.values())))

</pallas_src>

<mosaic_0001>
#map = affine_map<(d0, d1) -> (0, 0)>
#map1 = affine_map<(d0, d1) -> (0)>
module attributes {stable_mosaic.version = 14 : i64} {
  func.func @gather_kernel(%arg0: i32, %arg1: i32, %arg2: memref<8192x256xf32, #tpu.memory_space<hbm>>, %arg3: memref<4096xi32, #tpu.memory_space<hbm>>, %arg4: memref<4096x256xf32, #tpu.memory_space<hbm>>, %arg5: memref<128xi32, #tpu.memory_space<vmem>>, %arg6: memref<128x256xf32, #tpu.memory_space<vmem>>, %arg7: memref<!tpu.dma_semaphore, #tpu.memory_space<semaphore_mem>>) attributes {dimension_semantics = [#tpu.dimension_semantics<core_parallel>, #tpu.dimension_semantics<subcore_parallel>], iteration_bounds = array<i64: 2, 16>, scalar_prefetch = 0 : i64, scratch_operands = 3 : i64, tpu.core_type = #tpu.core_type<sc_vector_subcore>, window_params = [{transform_indices = #map}, {transform_indices = #map1}, {transform_indices = #map}]} {
    %mul3A = arith.constant 2 : i32
    %mul3A_0 = arith.muli %arg1, %mul3A : i32
    %add3A = arith.addi %mul3A_0, %arg0 : i32
    %mul3A_1 = arith.constant 128 : i32
    %mul3A_2 = arith.muli %add3A, %mul3A_1 : i32
    "tpu.region"() ({
      %run_scoped3A = tpu.sem_alloc : memref<!tpu.dma_semaphore, #tpu.memory_space<semaphore_mem>>
      %dma_start3A_9 = tpu.memref_slice %arg3[%mul3A_2] : memref<4096xi32, #tpu.memory_space<hbm>> -> memref<128xi32, #tpu.memory_space<hbm>>
      %dma_start3A_10 = tpu.memref_slice %arg3[%mul3A_2] : memref<4096xi32, #tpu.memory_space<hbm>> -> memref<128xi32, #tpu.memory_space<hbm>>
      tpu.enqueue_dma source(%dma_start3A_10 : memref<128xi32, #tpu.memory_space<hbm>>) target(%arg5 : memref<128xi32, #tpu.memory_space<vmem>>) target_semaphore(%run_scoped3A : memref<!tpu.dma_semaphore, #tpu.memory_space<semaphore_mem>>)
      %dma_wait3A_11 = tpu.memref_slice %arg3[%mul3A_2] : memref<4096xi32, #tpu.memory_space<hbm>> -> memref<128xi32, #tpu.memory_space<hbm>>
      %dma_wait3A_12 = tpu.memref_slice %arg3[%mul3A_2] : memref<4096xi32, #tpu.memory_space<hbm>> -> memref<128xi32, #tpu.memory_space<hbm>>
      tpu.wait_dma2 semaphore(%run_scoped3A : memref<!tpu.dma_semaphore, #tpu.memory_space<semaphore_mem>>) src(%dma_wait3A_12 : memref<128xi32, #tpu.memory_space<hbm>>) dst(%arg5 : memref<128xi32, #tpu.memory_space<vmem>>)
      tpu.yield
    }) : () -> ()
    %dma_start3A = arith.constant 0 : i32
    %dma_start3A_3 = arith.constant 0 : i32
    %dma_start3A_4 = tpu.memref_slice %arg2[%dma_start3A, %dma_start3A_3] : memref<8192x256xf32, #tpu.memory_space<hbm>> -> memref<8192x256xf32, #tpu.memory_space<hbm>>
    tpu.enqueue_indirect_dma source(%dma_start3A_4 : memref<8192x256xf32, #tpu.memory_space<hbm>>) target(%arg6 : memref<128x256xf32, #tpu.memory_space<vmem>>) offsets(%arg5 : memref<128xi32, #tpu.memory_space<vmem>>) semaphore(%arg7 : memref<!tpu.dma_semaphore, #tpu.memory_space<semaphore_mem>>)
    %dma_wait3A = arith.constant 0 : i32
    %dma_wait3A_5 = arith.constant 0 : i32
    %dma_wait3A_6 = tpu.memref_slice %arg2[%dma_wait3A, %dma_wait3A_5] : memref<8192x256xf32, #tpu.memory_space<hbm>> -> memref<8192x256xf32, #tpu.memory_space<hbm>>
    tpu.wait_indirect_dma semaphore(%arg7 : memref<!tpu.dma_semaphore, #tpu.memory_space<semaphore_mem>>) src(%dma_wait3A_6 : memref<8192x256xf32, #tpu.memory_space<hbm>>) dst(%arg6 : memref<128x256xf32, #tpu.memory_space<vmem>>)
    %mul3A_7 = arith.constant 128 : i32
    %mul3A_8 = arith.muli %add3A, %mul3A_7 : i32
    "tpu.region"() ({
      %run_scoped3A = tpu.sem_alloc : memref<!tpu.dma_semaphore, #tpu.memory_space<semaphore_mem>>
      %dma_start3A_9 = arith.constant 0 : i32
      %dma_start3A_10 = tpu.memref_slice %arg4[%mul3A_8, %dma_start3A_9] : memref<4096x256xf32, #tpu.memory_space<hbm>> -> memref<128x256xf32, #tpu.memory_space<hbm>>
      %dma_start3A_11 = arith.constant 0 : i32
      %dma_start3A_12 = tpu.memref_slice %arg4[%mul3A_8, %dma_start3A_11] : memref<4096x256xf32, #tpu.memory_space<hbm>> -> memref<128x256xf32, #tpu.memory_space<hbm>>
      tpu.enqueue_dma source(%arg6 : memref<128x256xf32, #tpu.memory_space<vmem>>) target(%dma_start3A_12 : memref<128x256xf32, #tpu.memory_space<hbm>>) target_semaphore(%run_scoped3A : memref<!tpu.dma_semaphore, #tpu.memory_space<semaphore_mem>>)
      %dma_wait3A_13 = arith.constant 0 : i32
      %dma_wait3A_14 = tpu.memref_slice %arg4[%mul3A_8, %dma_wait3A_13] : memref<4096x256xf32, #tpu.memory_space<hbm>> -> memref<128x256xf32, #tpu.memory_space<hbm>>
      %dma_wait3A_15 = arith.constant 0 : i32
      %dma_wait3A_16 = tpu.memref_slice %arg4[%mul3A_8, %dma_wait3A_15] : memref<4096x256xf32, #tpu.memory_space<hbm>> -> memref<128x256xf32, #tpu.memory_space<hbm>>
      tpu.wait_dma2 semaphore(%run_scoped3A : memref<!tpu.dma_semaphore, #tpu.memory_space<semaphore_mem>>) src(%arg6 : memref<128x256xf32, #tpu.memory_space<vmem>>) dst(%dma_wait3A_16 : memref<128x256xf32, #tpu.memory_space<hbm>>)
      tpu.yield
    }) : () -> ()
    return
  }
}

module attributes {stable_mosaic.version = 14 : i64} {
  func.func @_enc_body(%arg0: i32, %arg1: memref<512x768xf32, #tpu.memory_space<vmem>>, %arg2: memref<768x512xf32, #tpu.memory_space<vmem>>, %arg3: memref<512xf32, #tpu.memory_space<vmem>>, %arg4: memref<512x256xf32, #tpu.memory_space<vmem>>, %arg5: memref<256xf32, #tpu.memory_space<vmem>>, %arg6: memref<8192x256xf32, #tpu.memory_space<vmem>>, %arg7: memref<1x8192xf32, #tpu.memory_space<vmem>>, %arg8: memref<512x1xi32, #tpu.memory_space<vmem>>, %arg9: memref<1x1x1xf32, #tpu.memory_space<vmem>>) attributes {dimension_semantics = [#tpu.dimension_semantics<parallel>], iteration_bounds = array<i64: 8>, scalar_prefetch = 0 : i64, scratch_operands = 0 : i64, tpu.core_type = #tpu.core_type<tc>, window_params = [{transform_indices = @transform_0, window_bounds = array<i64: 512, 768>}, {pipeline_mode = #tpu.pipeline_mode<synchronous>, transform_indices = @transform_1, window_bounds = array<i64: 768, 512>}, {pipeline_mode = #tpu.pipeline_mode<synchronous>, transform_indices = @transform_2, window_bounds = array<i64: 512>}, {pipeline_mode = #tpu.pipeline_mode<synchronous>, transform_indices = @transform_3, window_bounds = array<i64: 512, 256>}, {pipeline_mode = #tpu.pipeline_mode<synchronous>, transform_indices = @transform_4, window_bounds = array<i64: 256>}, {pipeline_mode = #tpu.pipeline_mode<synchronous>, transform_indices = @transform_5, window_bounds = array<i64: 8192, 256>}, {pipeline_mode = #tpu.pipeline_mode<synchronous>, transform_indices = @transform_6, window_bounds = array<i64: 1, 8192>}, {transform_indices = @transform_7, window_bounds = array<i64: 512, 1>}, {transform_indices = @transform_8, window_bounds = array<i64: 1, 1, 1>}]} {
    %get3A = arith.constant 0 : index
    %get3A_0 = arith.constant 0 : index
    %get3A_1 = vector.load %arg1[%get3A, %get3A_0] : memref<512x768xf32, #tpu.memory_space<vmem>>, vector<512x768xf32>
    %get3A_2 = arith.constant 0 : index
    %get3A_3 = arith.constant 0 : index
    %get3A_4 = vector.load %arg2[%get3A_2, %get3A_3] : memref<768x512xf32, #tpu.memory_space<vmem>>, vector<768x512xf32>
    %convert_element_type3A = arith.truncf %get3A_1 : vector<512x768xf32> to vector<512x768xbf16>
    %convert_element_type3A_5 = arith.truncf %get3A_4 : vector<768x512xf32> to vector<768x512xbf16>
    %dot_general3A = arith.constant dense<0.000000e+00> : vector<512x512xf32>
    %dot_general3A_6 = tpu.matmul %convert_element_type3A, %convert_element_type3A_5, %dot_general3A {dimension_numbers = #tpu.dot_dimension_numbers<[1], [0], [0], [1], [0, 0, 1, 1], [], []>, transpose_lhs_hint = false} : vector<512x768xbf16>, vector<768x512xbf16>, vector<512x512xf32> -> vector<512x512xf32>
    %get3A_7 = arith.constant 0 : index
    %get3A_8 = vector.load %arg3[%get3A_7] : memref<512xf32, #tpu.memory_space<vmem>>, vector<512xf32>
    %broadcast_in_dim3A = vector.shape_cast %get3A_8 : vector<512xf32> to vector<1x512xf32>
    %add3A = vector.broadcast %broadcast_in_dim3A : vector<1x512xf32> to vector<512x512xf32>
    %add3A_9 = arith.addf %dot_general3A_6, %add3A : vector<512x512xf32>
    %gt3A = arith.constant 0.000000e+00 : f32
    %gt3A_10 = vector.broadcast %gt3A : f32 to vector<512x512xf32>
    %gt3A_11 = arith.cmpf ogt, %add3A_9, %gt3A_10 : vector<512x512xf32>
    %mul3A = arith.constant 0.00999999977 : f32
    %mul3A_12 = vector.broadcast %mul3A : f32 to vector<512x512xf32>
    %mul3A_13 = arith.mulf %mul3A_12, %add3A_9 : vector<512x512xf32>
    %select_n3A = arith.select %gt3A_11, %add3A_9, %mul3A_13 : vector<512x512xi1>, vector<512x512xf32>
    %get3A_14 = arith.constant 0 : index
    %get3A_15 = arith.constant 0 : index
    %get3A_16 = vector.load %arg4[%get3A_14, %get3A_15] : memref<512x256xf32, #tpu.memory_space<vmem>>, vector<512x256xf32>
    %convert_element_type3A_17 = arith.truncf %select_n3A : vector<512x512xf32> to vector<512x512xbf16>
    %convert_element_type3A_18 = arith.truncf %get3A_16 : vector<512x256xf32> to vector<512x256xbf16>
    %dot_general3A_19 = arith.constant dense<0.000000e+00> : vector<512x256xf32>
    %dot_general3A_20 = tpu.matmul %convert_element_type3A_17, %convert_element_type3A_18, %dot_general3A_19 {dimension_numbers = #tpu.dot_dimension_numbers<[1], [0], [0], [1], [0, 0, 1, 1], [], []>, transpose_lhs_hint = false} : vector<512x512xbf16>, vector<512x256xbf16>, vector<512x256xf32> -> vector<512x256xf32>
    %get3A_21 = arith.constant 0 : index
    %get3A_22 = vector.load %arg5[%get3A_21] : memref<256xf32, #tpu.memory_space<vmem>>, vector<256xf32>
    %broadcast_in_dim3A_23 = vector.shape_cast %get3A_22 : vector<256xf32> to vector<1x256xf32>
    %add3A_24 = vector.broadcast %broadcast_in_dim3A_23 : vector<1x256xf32> to vector<512x256xf32>
    %add3A_25 = arith.addf %dot_general3A_20, %add3A_24 : vector<512x256xf32>
    %mul3A_26 = arith.mulf %add3A_25, %add3A_25 : vector<512x256xf32>
    %reduce_sum3A = arith.constant dense<0.000000e+00> : vector<512xf32>
    %reduce_sum3A_27 = vector.multi_reduction <add>, %mul3A_26, %reduce_sum3A [1] : vector<512x256xf32> to vector<512xf32>
    %broadcast_in_dim3A_28 = vector.shape_cast %reduce_sum3A_27 : vector<512xf32> to vector<512x1xf32>
    %mul3A_29 = arith.constant -2.000000e+00 : f32
    %mul3A_30 = vector.broadcast %mul3A_29 : f32 to vector<512x256xf32>
    %mul3A_31 = arith.mulf %mul3A_30, %add3A_25 : vector<512x256xf32>
    %convert_element_type3A_32 = arith.truncf %mul3A_31 : vector<512x256xf32> to vector<512x256xbf16>
    %get3A_33 = arith.constant 0 : index
    %get3A_34 = arith.constant 0 : index
    %get3A_35 = vector.load %arg6[%get3A_33, %get3A_34] : memref<8192x256xf32, #tpu.memory_space<vmem>>, vector<1024x256xf32>
    %convert_element_type3A_36 = arith.truncf %get3A_35 : vector<1024x256xf32> to vector<1024x256xbf16>
    %dot_general3A_37 = arith.constant dense<0.000000e+00> : vector<512x1024xf32>
    %dot_general3A_38 = tpu.matmul %convert_element_type3A_32, %convert_element_type3A_36, %dot_general3A_37 {dimension_numbers = #tpu.dot_dimension_numbers<[1], [1], [0], [0], [0, 0, 1, 0], [], []>, transpose_lhs_hint = false} : vector<512x256xbf16>, vector<1024x256xbf16>, vector<512x1024xf32> -> vector<512x1024xf32>
    %get3A_39 = arith.constant 0 : index
    %get3A_40 = arith.constant 0 : index
    %get3A_41 = vector.load %arg7[%get3A_39, %get3A_40] : memref<1x8192xf32, #tpu.memory_space<vmem>>, vector<1x1024xf32>
    %add3A_42 = vector.broadcast %broadcast_in_dim3A_28 : vector<512x1xf32> to vector<512x1024xf32>
    %add3A_43 = vector.broadcast %get3A_41 : vector<1x1024xf32> to vector<512x1024xf32>
    %add3A_44 = arith.addf %add3A_42, %add3A_43 : vector<512x1024xf32>
    %add3A_45 = arith.addf %add3A_44, %dot_general3A_38 : vector<512x1024xf32>
    %broadcast_in_dim3A_46 = arith.constant 0 : i32
    %broadcast_in_dim3A_47 = vector.broadcast %broadcast_in_dim3A_46 : i32 to vector<512x1024xi32>
    %get3A_48 = arith.constant 1024 : index
    %get3A_49 = arith.constant 0 : index
    %get3A_50 = vector.load %arg6[%get3A_48, %get3A_49] : memref<8192x256xf32, #tpu.memory_space<vmem>>, vector<1024x256xf32>
    %convert_element_type3A_51 = arith.truncf %get3A_50 : vector<1024x256xf32> to vector<1024x256xbf16>
    %dot_general3A_52 = arith.constant dense<0.000000e+00> : vector<512x1024xf32>
    %dot_general3A_53 = tpu.matmul %convert_element_type3A_32, %convert_element_type3A_51, %dot_general3A_52 {dimension_numbers = #tpu.dot_dimension_numbers<[1], [1], [0], [0], [0, 0, 1, 0], [], []>, transpose_lhs_hint = false} : vector<512x256xbf16>, vector<1024x256xbf16>, vector<512x1024xf32> -> vector<512x1024xf32>
    %get3A_54 = arith.constant 0 : index
    %get3A_55 = arith.constant 1024 : index
    %get3A_56 = vector.load %arg7[%get3A_54, %get3A_55] : memref<1x8192xf32, #tpu.memory_space<vmem>>, vector<1x1024xf32>
    %add3A_57 = vector.broadcast %broadcast_in_dim3A_28 : vector<512x1xf32> to vector<512x1024xf32>
    %add3A_58 = vector.broadcast %get3A_56 : vector<1x1024xf32> to vector<512x1024xf32>
    %add3A_59 = arith.addf %add3A_57, %add3A_58 : vector<512x1024xf32>
    %add3A_60 = arith.addf %add3A_59, %dot_general3A_53 : vector<512x1024xf32>
    %lt3A = arith.cmpf olt, %add3A_60, %add3A_45 : vector<512x1024xf32>
    %select_n3A_61 = arith.select %lt3A, %add3A_60, %add3A_45 : vector<512x1024xi1>, vector<512x1024xf32>
    %jit3A = arith.constant 1 : i32
    %broadcast_in_dim3A_62 = vector.broadcast %jit3A : i32 to vector<512x1024xi32>
    %select_n3A_63 = arith.select %lt3A, %broadcast_in_dim3A_62, %broadcast_in_dim3A_47 : vector<512x1024xi1>, vector<512x1024xi32>
    %get3A_64 = arith.constant 2048 : index
    %get3A_65 = arith.constant 0 : index
    %get3A_66 = vector.load %arg6[%get3A_64, %get3A_65] : memref<8192x256xf32, #tpu.memory_space<vmem>>, vector<1024x256xf32>
    %convert_element_type3A_67 = arith.truncf %get3A_66 : vector<1024x256xf32> to vector<1024x256xbf16>
    %dot_general3A_68 = arith.constant dense<0.000000e+00> : vector<512x1024xf32>
    %dot_general3A_69 = tpu.matmul %convert_element_type3A_32, %convert_element_type3A_67, %dot_general3A_68 {dimension_numbers = #tpu.dot_dimension_numbers<[1], [1], [0], [0], [0, 0, 1, 0], [], []>, transpose_lhs_hint = false} : vector<512x256xbf16>, vector<1024x256xbf16>, vector<512x1024xf32> -> vector<512x1024xf32>
    %get3A_70 = arith.constant 0 : index
    %get3A_71 = arith.constant 2048 : index
    %get3A_72 = vector.load %arg7[%get3A_70, %get3A_71] : memref<1x8192xf32, #tpu.memory_space<vmem>>, vector<1x1024xf32>
    %add3A_73 = vector.broadcast %broadcast_in_dim3A_28 : vector<512x1xf32> to vector<512x1024xf32>
    %add3A_74 = vector.broadcast %get3A_72 : vector<1x1024xf32> to vector<512x1024xf32>
    %add3A_75 = arith.addf %add3A_73, %add3A_74 : vector<512x1024xf32>
    %add3A_76 = arith.addf %add3A_75, %dot_general3A_69 : vector<512x1024xf32>
    %lt3A_77 = arith.cmpf olt, %add3A_76, %select_n3A_61 : vector<512x1024xf32>
    %select_n3A_78 = arith.select %lt3A_77, %add3A_76, %select_n3A_61 : vector<512x1024xi1>, vector<512x1024xf32>
    %jit3A_79 = arith.constant 2 : i32
    %broadcast_in_dim3A_80 = vector.broadcast %jit3A_79 : i32 to vector<512x1024xi32>
    %select_n3A_81 = arith.select %lt3A_77, %broadcast_in_dim3A_80, %select_n3A_63 : vector<512x1024xi1>, vector<512x1024xi32>
    %get3A_82 = arith.constant 3072 : index
    %get3A_83 = arith.constant 0 : index
    %get3A_84 = vector.load %arg6[%get3A_82, %get3A_83] : memref<8192x256xf32, #tpu.memory_space<vmem>>, vector<1024x256xf32>
    %convert_element_type3A_85 = arith.truncf %get3A_84 : vector<1024x256xf32> to vector<1024x256xbf16>
    %dot_general3A_86 = arith.constant dense<0.000000e+00> : vector<512x1024xf32>
    %dot_general3A_87 = tpu.matmul %convert_element_type3A_32, %convert_element_type3A_85, %dot_general3A_86 {dimension_numbers = #tpu.dot_dimension_numbers<[1], [1], [0], [0], [0, 0, 1, 0], [], []>, transpose_lhs_hint = false} : vector<512x256xbf16>, vector<1024x256xbf16>, vector<512x1024xf32> -> vector<512x1024xf32>
    %get3A_88 = arith.constant 0 : index
    %get3A_89 = arith.constant 3072 : index
    %get3A_90 = vector.load %arg7[%get3A_88, %get3A_89] : memref<1x8192xf32, #tpu.memory_space<vmem>>, vector<1x1024xf32>
    %add3A_91 = vector.broadcast %broadcast_in_dim3A_28 : vector<512x1xf32> to vector<512x1024xf32>
    %add3A_92 = vector.broadcast %get3A_90 : vector<1x1024xf32> to vector<512x1024xf32>
    %add3A_93 = arith.addf %add3A_91, %add3A_92 : vector<512x1024xf32>
    %add3A_94 = arith.addf %add3A_93, %dot_general3A_87 : vector<512x1024xf32>
    %lt3A_95 = arith.cmpf olt, %add3A_94, %select_n3A_78 : vector<512x1024xf32>
    %select_n3A_96 = arith.select %lt3A_95, %add3A_94, %select_n3A_78 : vector<512x1024xi1>, vector<512x1024xf32>
    %jit3A_97 = arith.constant 3 : i32
    %broadcast_in_dim3A_98 = vector.broadcast %jit3A_97 : i32 to vector<512x1024xi32>
    %select_n3A_99 = arith.select %lt3A_95, %broadcast_in_dim3A_98, %select_n3A_81 : vector<512x1024xi1>, vector<512x1024xi32>
    %get3A_100 = arith.constant 4096 : index
    %get3A_101 = arith.constant 0 : index
    %get3A_102 = vector.load %arg6[%get3A_100, %get3A_101] : memref<8192x256xf32, #tpu.memory_space<vmem>>, vector<1024x256xf32>
    %convert_element_type3A_103 = arith.truncf %get3A_102 : vector<1024x256xf32> to vector<1024x256xbf16>
    %dot_general3A_104 = arith.constant dense<0.000000e+00> : vector<512x1024xf32>
    %dot_general3A_105 = tpu.matmul %convert_element_type3A_32, %convert_element_type3A_103, %dot_general3A_104 {dimension_numbers = #tpu.dot_dimension_numbers<[1], [1], [0], [0], [0, 0, 1, 0], [], []>, transpose_lhs_hint = false} : vector<512x256xbf16>, vector<1024x256xbf16>, vector<512x1024xf32> -> vector<512x1024xf32>
    %get3A_106 = arith.constant 0 : index
    %get3A_107 = arith.constant 4096 : index
    %get3A_108 = vector.load %arg7[%get3A_106, %get3A_107] : memref<1x8192xf32, #tpu.memory_space<vmem>>, vector<1x1024xf32>
    %add3A_109 = vector.broadcast %broadcast_in_dim3A_28 : vector<512x1xf32> to vector<512x1024xf32>
    %add3A_110 = vector.broadcast %get3A_108 : vector<1x1024xf32> to vector<512x1024xf32>
    %add3A_111 = arith.addf %add3A_109, %add3A_110 : vector<512x1024xf32>
    %add3A_112 = arith.addf %add3A_111, %dot_general3A_105 : vector<512x1024xf32>
    %lt3A_113 = arith.cmpf olt, %add3A_112, %select_n3A_96 : vector<512x1024xf32>
    %select_n3A_114 = arith.select %lt3A_113, %add3A_112, %select_n3A_96 : vector<512x1024xi1>, vector<512x1024xf32>
    %jit3A_115 = arith.constant 4 : i32
    %broadcast_in_dim3A_116 = vector.broadcast %jit3A_115 : i32 to vector<512x1024xi32>
    %select_n3A_117 = arith.select %lt3A_113, %broadcast_in_dim3A_116, %select_n3A_99 : vector<512x1024xi1>, vector<512x1024xi32>
    %get3A_118 = arith.constant 5120 : index
    %get3A_119 = arith.constant 0 : index
    %get3A_120 = vector.load %arg6[%get3A_118, %get3A_119] : memref<8192x256xf32, #tpu.memory_space<vmem>>, vector<1024x256xf32>
    %convert_element_type3A_121 = arith.truncf %get3A_120 : vector<1024x256xf32> to vector<1024x256xbf16>
    %dot_general3A_122 = arith.constant dense<0.000000e+00> : vector<512x1024xf32>
    %dot_general3A_123 = tpu.matmul %convert_element_type3A_32, %convert_element_type3A_121, %dot_general3A_122 {dimension_numbers = #tpu.dot_dimension_numbers<[1], [1], [0], [0], [0, 0, 1, 0], [], []>, transpose_lhs_hint = false} : vector<512x256xbf16>, vector<1024x256xbf16>, vector<512x1024xf32> -> vector<512x1024xf32>
    %get3A_124 = arith.constant 0 : index
    %get3A_125 = arith.constant 5120 : index
    %get3A_126 = vector.load %arg7[%get3A_124, %get3A_125] : memref<1x8192xf32, #tpu.memory_space<vmem>>, vector<1x1024xf32>
    %add3A_127 = vector.broadcast %broadcast_in_dim3A_28 : vector<512x1xf32> to vector<512x1024xf32>
    %add3A_128 = vector.broadcast %get3A_126 : vector<1x1024xf32> to vector<512x1024xf32>
    %add3A_129 = arith.addf %add3A_127, %add3A_128 : vector<512x1024xf32>
    %add3A_130 = arith.addf %add3A_129, %dot_general3A_123 : vector<512x1024xf32>
    %lt3A_131 = arith.cmpf olt, %add3A_130, %select_n3A_114 : vector<512x1024xf32>
    %select_n3A_132 = arith.select %lt3A_131, %add3A_130, %select_n3A_114 : vector<512x1024xi1>, vector<512x1024xf32>
    %jit3A_133 = arith.constant 5 : i32
    %broadcast_in_dim3A_134 = vector.broadcast %jit3A_133 : i32 to vector<512x1024xi32>
    %select_n3A_135 = arith.select %lt3A_131, %broadcast_in_dim3A_134, %select_n3A_117 : vector<512x1024xi1>, vector<512x1024xi32>
    %get3A_136 = arith.constant 6144 : index
    %get3A_137 = arith.constant 0 : index
    %get3A_138 = vector.load %arg6[%get3A_136, %get3A_137] : memref<8192x256xf32, #tpu.memory_space<vmem>>, vector<1024x256xf32>
    %convert_element_type3A_139 = arith.truncf %get3A_138 : vector<1024x256xf32> to vector<1024x256xbf16>
    %dot_general3A_140 = arith.constant dense<0.000000e+00> : vector<512x1024xf32>
    %dot_general3A_141 = tpu.matmul %convert_element_type3A_32, %convert_element_type3A_139, %dot_general3A_140 {dimension_numbers = #tpu.dot_dimension_numbers<[1], [1], [0], [0], [0, 0, 1, 0], [], []>, transpose_lhs_hint = false} : vector<512x256xbf16>, vector<1024x256xbf16>, vector<512x1024xf32> -> vector<512x1024xf32>
    %get3A_142 = arith.constant 0 : index
    %get3A_143 = arith.constant 6144 : index
    %get3A_144 = vector.load %arg7[%get3A_142, %get3A_143] : memref<1x8192xf32, #tpu.memory_space<vmem>>, vector<1x1024xf32>
    %add3A_145 = vector.broadcast %broadcast_in_dim3A_28 : vector<512x1xf32> to vector<512x1024xf32>
    %add3A_146 = vector.broadcast %get3A_144 : vector<1x1024xf32> to vector<512x1024xf32>
    %add3A_147 = arith.addf %add3A_145, %add3A_146 : vector<512x1024xf32>
    %add3A_148 = arith.addf %add3A_147, %dot_general3A_141 : vector<512x1024xf32>
    %lt3A_149 = arith.cmpf olt, %add3A_148, %select_n3A_132 : vector<512x1024xf32>
    %select_n3A_150 = arith.select %lt3A_149, %add3A_148, %select_n3A_132 : vector<512x1024xi1>, vector<512x1024xf32>
    %jit3A_151 = arith.constant 6 : i32
    %broadcast_in_dim3A_152 = vector.broadcast %jit3A_151 : i32 to vector<512x1024xi32>
    %select_n3A_153 = arith.select %lt3A_149, %broadcast_in_dim3A_152, %select_n3A_135 : vector<512x1024xi1>, vector<512x1024xi32>
    %get3A_154 = arith.constant 7168 : index
    %get3A_155 = arith.constant 0 : index
    %get3A_156 = vector.load %arg6[%get3A_154, %get3A_155] : memref<8192x256xf32, #tpu.memory_space<vmem>>, vector<1024x256xf32>
    %convert_element_type3A_157 = arith.truncf %get3A_156 : vector<1024x256xf32> to vector<1024x256xbf16>
    %dot_general3A_158 = arith.constant dense<0.000000e+00> : vector<512x1024xf32>
    %dot_general3A_159 = tpu.matmul %convert_element_type3A_32, %convert_element_type3A_157, %dot_general3A_158 {dimension_numbers = #tpu.dot_dimension_numbers<[1], [1], [0], [0], [0, 0, 1, 0], [], []>, transpose_lhs_hint = false} : vector<512x256xbf16>, vector<1024x256xbf16>, vector<512x1024xf32> -> vector<512x1024xf32>
    %get3A_160 = arith.constant 0 : index
    %get3A_161 = arith.constant 7168 : index
    %get3A_162 = vector.load %arg7[%get3A_160, %get3A_161] : memref<1x8192xf32, #tpu.memory_space<vmem>>, vector<1x1024xf32>
    %add3A_163 = vector.broadcast %broadcast_in_dim3A_28 : vector<512x1xf32> to vector<512x1024xf32>
    %add3A_164 = vector.broadcast %get3A_162 : vector<1x1024xf32> to vector<512x1024xf32>
    %add3A_165 = arith.addf %add3A_163, %add3A_164 : vector<512x1024xf32>
    %add3A_166 = arith.addf %add3A_165, %dot_general3A_159 : vector<512x1024xf32>
    %lt3A_167 = arith.cmpf olt, %add3A_166, %select_n3A_150 : vector<512x1024xf32>
    %select_n3A_168 = arith.select %lt3A_167, %add3A_166, %select_n3A_150 : vector<512x1024xi1>, vector<512x1024xf32>
    %jit3A_169 = arith.constant 7 : i32
    %broadcast_in_dim3A_170 = vector.broadcast %jit3A_169 : i32 to vector<512x1024xi32>
    %select_n3A_171 = arith.select %lt3A_167, %broadcast_in_dim3A_170, %select_n3A_153 : vector<512x1024xi1>, vector<512x1024xi32>
    %mul3A_172 = arith.constant 1024 : i32
    %mul3A_173 = vector.broadcast %mul3A_172 : i32 to vector<512x1024xi32>
    %mul3A_174 = arith.muli %select_n3A_171, %mul3A_173 : vector<512x1024xi32>
    %iota3A = tpu.iota {dimensions = array<i32: 1>} : vector<512x1024xi32>
    %add3A_175 = arith.addi %mul3A_174, %iota3A : vector<512x1024xi32>
    %reduce_min3A = arith.constant dense<0x7F800000> : vector<512xf32>
    %reduce_min3A_176 = vector.multi_reduction <minimumf>, %select_n3A_168, %reduce_min3A [1] : vector<512x1024xf32> to vector<512xf32>
    %broadcast_in_dim3A_177 = vector.shape_cast %reduce_min3A_176 : vector<512xf32> to vector<512x1xf32>
    %eq3A = vector.broadcast %broadcast_in_dim3A_177 : vector<512x1xf32> to vector<512x1024xf32>
    %eq3A_178 = arith.cmpf oeq, %select_n3A_168, %eq3A : vector<512x1024xf32>
    %jit3A_179 = arith.constant 2147483647 : i32
    %broadcast_in_dim3A_180 = vector.broadcast %jit3A_179 : i32 to vector<512x1024xi32>
    %select_n3A_181 = arith.select %eq3A_178, %add3A_175, %broadcast_in_dim3A_180 : vector<512x1024xi1>, vector<512x1024xi32>
    %reduce_min3A_182 = arith.constant dense<2147483647> : vector<512xi32>
    %reduce_min3A_183 = vector.multi_reduction <minsi>, %select_n3A_181, %reduce_min3A_182 [1] : vector<512x1024xi32> to vector<512xi32>
    %broadcast_in_dim3A_184 = vector.shape_cast %reduce_min3A_183 : vector<512xi32> to vector<512x1xi32>
    %swap3A = arith.constant 0 : index
    %swap3A_185 = arith.constant 0 : index
    %swap3A_186 = vector.load %arg8[%swap3A, %swap3A_185] : memref<512x1xi32, #tpu.memory_space<vmem>>, vector<512x1xi32>
    tpu.vector_store %arg8[%swap3A, %swap3A_185], %broadcast_in_dim3A_184 {strides = array<i32>} : memref<512x1xi32, #tpu.memory_space<vmem>>, vector<512x1xi32>,
    %reduce_sum3A_187 = vector.shape_cast %broadcast_in_dim3A_177 : vector<512x1xf32> to vector<1x512x1xf32>
    %reduce_sum3A_188 = arith.constant dense<0.000000e+00> : vector<1xf32>
    %reduce_sum3A_189 = vector.multi_reduction <add>, %reduce_sum3A_187, %reduce_sum3A_188 [1, 2] : vector<1x512x1xf32> to vector<1xf32>
    %reduce_sum3A_190 = vector.shape_cast %reduce_sum3A_189 : vector<1xf32> to vector<1x1x1xf32>
    %reduce_sum3A_191 = vector.extract %reduce_sum3A_190[0, 0, 0] : f32 from vector<1x1x1xf32>
    %reshape3A = vector.broadcast %reduce_sum3A_191 : f32 to vector<1x1x1xf32>
    %swap3A_192 = arith.constant 0 : index
    %swap3A_193 = arith.constant 0 : index
    %swap3A_194 = arith.constant 0 : index
    %swap3A_195 = vector.load %arg9[%swap3A_192, %swap3A_193, %swap3A_194] : memref<1x1x1xf32, #tpu.memory_space<vmem>>, vector<1x1x1xf32>
    tpu.vector_store %arg9[%swap3A_192, %swap3A_193, %swap3A_194], %reshape3A {strides = array<i32>} : memref<1x1x1xf32, #tpu.memory_space<vmem>>, vector<1x1x1xf32>,
    return
  }
  func.func @transform_0(%arg0: i32) -> (i32, i32) {
    %c0_i32 = arith.constant 0 : i32
    %c0_i32_0 = arith.constant 0 : i32
    return %arg0, %c0_i32 : i32, i32
  }
  func.func @transform_1(%arg0: i32) -> (i32, i32) {
    %c0_i32 = arith.constant 0 : i32
    %c0_i32_0 = arith.constant 0 : i32
    %c0_i32_1 = arith.constant 0 : i32
    return %c0_i32, %c0_i32_0 : i32, i32
  }
  func.func @transform_2(%arg0: i32) -> i32 {
    %c0_i32 = arith.constant 0 : i32
    %c0_i32_0 = arith.constant 0 : i32
    return %c0_i32 : i32
  }
  func.func @transform_3(%arg0: i32) -> (i32, i32) {
    %c0_i32 = arith.constant 0 : i32
    %c0_i32_0 = arith.constant 0 : i32
    %c0_i32_1 = arith.constant 0 : i32
    return %c0_i32, %c0_i32_0 : i32, i32
  }
  func.func @transform_4(%arg0: i32) -> i32 {
    %c0_i32 = arith.constant 0 : i32
    %c0_i32_0 = arith.constant 0 : i32
    return %c0_i32 : i32
  }
  func.func @transform_5(%arg0: i32) -> (i32, i32) {
    %c0_i32 = arith.constant 0 : i32
    %c0_i32_0 = arith.constant 0 : i32
    %c0_i32_1 = arith.constant 0 : i32
    return %c0_i32, %c0_i32_0 : i32, i32
  }
  func.func @transform_6(%arg0: i32) -> (i32, i32) {
    %c0_i32 = arith.constant 0 : i32
    %c0_i32_0 = arith.constant 0 : i32
    %c0_i32_1 = arith.constant 0 : i32
    return %c0_i32, %c0_i32_0 : i32, i32
  }
  func.func @transform_7(%arg0: i32) -> (i32, i32) {
    %c0_i32 = arith.constant 0 : i32
    %c0_i32_0 = arith.constant 0 : i32
    return %arg0, %c0_i32 : i32, i32
  }
  func.func @transform_8(%arg0: i32) -> (i32, i32, i32) {
    %c0_i32 = arith.constant 0 : i32
    %c0_i32_0 = arith.constant 0 : i32
    %c0_i32_1 = arith.constant 0 : i32
    return %arg0, %c0_i32, %c0_i32_0 : i32, i32, i32
  }
}

module attributes {stable_mosaic.version = 14 : i64} {
  func.func @_dec_body(%arg0: i32, %arg1: memref<1024x256xf32, #tpu.memory_space<vmem>>, %arg2: memref<256x512xf32, #tpu.memory_space<vmem>>, %arg3: memref<512xf32, #tpu.memory_space<vmem>>, %arg4: memref<512x768xf32, #tpu.memory_space<vmem>>, %arg5: memref<768xf32, #tpu.memory_space<vmem>>, %arg6: memref<1024x768xf32, #tpu.memory_space<vmem>>) attributes {dimension_semantics = [#tpu.dimension_semantics<parallel>], iteration_bounds = array<i64: 4>, scalar_prefetch = 0 : i64, scratch_operands = 0 : i64, tpu.core_type = #tpu.core_type<tc>, window_params = [{transform_indices = @transform_0, window_bounds = array<i64: 1024, 256>}, {pipeline_mode = #tpu.pipeline_mode<synchronous>, transform_indices = @transform_1, window_bounds = array<i64: 256, 512>}, {pipeline_mode = #tpu.pipeline_mode<synchronous>, transform_indices = @transform_2, window_bounds = array<i64: 512>}, {pipeline_mode = #tpu.pipeline_mode<synchronous>, transform_indices = @transform_3, window_bounds = array<i64: 512, 768>}, {pipeline_mode = #tpu.pipeline_mode<synchronous>, transform_indices = @transform_4, window_bounds = array<i64: 768>}, {transform_indices = @transform_5, window_bounds = array<i64: 1024, 768>}]} {
    %get3A = arith.constant 0 : index
    %get3A_0 = arith.constant 0 : index
    %get3A_1 = vector.load %arg1[%get3A, %get3A_0] : memref<1024x256xf32, #tpu.memory_space<vmem>>, vector<1024x256xf32>
    %get3A_2 = arith.constant 0 : index
    %get3A_3 = arith.constant 0 : index
    %get3A_4 = vector.load %arg2[%get3A_2, %get3A_3] : memref<256x512xf32, #tpu.memory_space<vmem>>, vector<256x512xf32>
    %convert_element_type3A = arith.truncf %get3A_1 : vector<1024x256xf32> to vector<1024x256xbf16>
    %convert_element_type3A_5 = arith.truncf %get3A_4 : vector<256x512xf32> to vector<256x512xbf16>
    %dot_general3A = arith.constant dense<0.000000e+00> : vector<1024x512xf32>
    %dot_general3A_6 = tpu.matmul %convert_element_type3A, %convert_element_type3A_5, %dot_general3A {dimension_numbers = #tpu.dot_dimension_numbers<[1], [0], [0], [1], [0, 0, 1, 1], [], []>, transpose_lhs_hint = false} : vector<1024x256xbf16>, vector<256x512xbf16>, vector<1024x512xf32> -> vector<1024x512xf32>
    %get3A_7 = arith.constant 0 : index
    %get3A_8 = vector.load %arg3[%get3A_7] : memref<512xf32, #tpu.memory_space<vmem>>, vector<512xf32>
    %broadcast_in_dim3A = vector.shape_cast %get3A_8 : vector<512xf32> to vector<1x512xf32>
    %add3A = vector.broadcast %broadcast_in_dim3A : vector<1x512xf32> to vector<1024x512xf32>
    %add3A_9 = arith.addf %dot_general3A_6, %add3A : vector<1024x512xf32>
    %gt3A = arith.constant 0.000000e+00 : f32
    %gt3A_10 = vector.broadcast %gt3A : f32 to vector<1024x512xf32>
    %gt3A_11 = arith.cmpf ogt, %add3A_9, %gt3A_10 : vector<1024x512xf32>
    %mul3A = arith.constant 0.00999999977 : f32
    %mul3A_12 = vector.broadcast %mul3A : f32 to vector<1024x512xf32>
    %mul3A_13 = arith.mulf %mul3A_12, %add3A_9 : vector<1024x512xf32>
    %select_n3A = arith.select %gt3A_11, %add3A_9, %mul3A_13 : vector<1024x512xi1>, vector<1024x512xf32>
    %get3A_14 = arith.constant 0 : index
    %get3A_15 = arith.constant 0 : index
    %get3A_16 = vector.load %arg4[%get3A_14, %get3A_15] : memref<512x768xf32, #tpu.memory_space<vmem>>, vector<512x768xf32>
    %convert_element_type3A_17 = arith.truncf %select_n3A : vector<1024x512xf32> to vector<1024x512xbf16>
    %convert_element_type3A_18 = arith.truncf %get3A_16 : vector<512x768xf32> to vector<512x768xbf16>
    %dot_general3A_19 = arith.constant dense<0.000000e+00> : vector<1024x768xf32>
    %dot_general3A_20 = tpu.matmul %convert_element_type3A_17, %convert_element_type3A_18, %dot_general3A_19 {dimension_numbers = #tpu.dot_dimension_numbers<[1], [0], [0], [1], [0, 0, 1, 1], [], []>, transpose_lhs_hint = false} : vector<1024x512xbf16>, vector<512x768xbf16>, vector<1024x768xf32> -> vector<1024x768xf32>
    %get3A_21 = arith.constant 0 : index
    %get3A_22 = vector.load %arg5[%get3A_21] : memref<768xf32, #tpu.memory_space<vmem>>, vector<768xf32>
    %broadcast_in_dim3A_23 = vector.shape_cast %get3A_22 : vector<768xf32> to vector<1x768xf32>
    %add3A_24 = vector.broadcast %broadcast_in_dim3A_23 : vector<1x768xf32> to vector<1024x768xf32>
    %add3A_25 = arith.addf %dot_general3A_20, %add3A_24 : vector<1024x768xf32>
    %swap3A = arith.constant 0 : index
    %swap3A_26 = arith.constant 0 : index
    %swap3A_27 = vector.load %arg6[%swap3A, %swap3A_26] : memref<1024x768xf32, #tpu.memory_space<vmem>>, vector<1024x768xf32>
    tpu.vector_store %arg6[%swap3A, %swap3A_26], %add3A_25 {strides = array<i32>} : memref<1024x768xf32, #tpu.memory_space<vmem>>, vector<1024x768xf32>,
    return
  }
  func.func @transform_0(%arg0: i32) -> (i32, i32) {
    %c0_i32 = arith.constant 0 : i32
    %c0_i32_0 = arith.constant 0 : i32
    return %arg0, %c0_i32 : i32, i32
  }
  func.func @transform_1(%arg0: i32) -> (i32, i32) {
    %c0_i32 = arith.constant 0 : i32
    %c0_i32_0 = arith.constant 0 : i32
    %c0_i32_1 = arith.constant 0 : i32
    return %c0_i32, %c0_i32_0 : i32, i32
  }
  func.func @transform_2(%arg0: i32) -> i32 {
    %c0_i32 = arith.constant 0 : i32
    %c0_i32_0 = arith.constant 0 : i32
    return %c0_i32 : i32
  }
  func.func @transform_3(%arg0: i32) -> (i32, i32) {
    %c0_i32 = arith.constant 0 : i32
    %c0_i32_0 = arith.constant 0 : i32
    %c0_i32_1 = arith.constant 0 : i32
    return %c0_i32, %c0_i32_0 : i32, i32
  }
  func.func @transform_4(%arg0: i32) -> i32 {
    %c0_i32 = arith.constant 0 : i32
    %c0_i32_0 = arith.constant 0 : i32
    return %c0_i32 : i32
  }
  func.func @transform_5(%arg0: i32) -> (i32, i32) {
    %c0_i32 = arith.constant 0 : i32
    %c0_i32_0 = arith.constant 0 : i32
    return %arg0, %c0_i32 : i32, i32
  }
}

</mosaic_0001>

<sc_bundles>
// kernel: kernel.5.cloned.1.call-start
scs
__scs_entry_jumppad:
0x0: {  	(pc) =	sbr.rel $0x88, $3  }
0x1: {  	(tag) =	ssettag $0x0;
	lr =	simm.s32 $0x1  }
0x2: {  	[smem:$0x3F97] =	sst lr;
	_ =	strace $0xD0000000  }
0x3: {  	_ = 	snop  }
0x4: {  	_ = 	snop  }
0x5: {  	_ = 	snop  }
0x6: {  	_ = 	snop  }
0x7: {  	_ = 	snop  }
__scs_overlays_trampoline_lowered:
0x8: {  	[smem:$0x3FA6] =	sst s0  }
0x9: {  	[smem:$0x3FA7] =	sst s1  }
0xa: {  	[smem:$0x3FA8] =	sst s2  }
0xb: {  	[smem:$0x3FA9] =	sst s3  }
0xc: {  	[smem:$0x3FAA] =	sst s4  }
0xd: {  	[smem:$0x3FAB] =	sst s5  }
0xe: {  	[smem:$0x3FAC] =	sst s6  }
0xf: {  	[smem:$0x3FAD] =	sst s7  }
0x10: {  	[smem:$0x3FAE] =	sst s8  }
0x11: {  	[smem:$0x3FAF] =	sst s9;
	s0 =	simm.s32 @!p0 $0x0  }
0x12: {  	s1 =	sld [smem:$0x3F95];
	s0 =	simm.s32 @p0 $0x1  }
0x13: {  	[smem:$0x3FB0] =	sst s0;
	s0 =	simm.s32 @!p1 $0x0  }
0x14: {  	s2 =	sld [smem:$0x3F94];
	s0 =	simm.s32 @p1 $0x1  }
0x15: {  	[smem:$0x3FB1] =	sst s0;
	s0 =	simm.s32 @!p2 $0x0  }
0x16: {  	s3 =	sld [smem:$0x3FDB];
	s0 =	simm.s32 @p2 $0x1  }
0x17: {  	s4 =	simm.s32 $0x1BF5;
	[smem:$0x3FB3] =	sst s0  }
0x18: {  	s0 =	sld [smem:$0x3F96];
	_ =	swait.ge [sflag:s4], $0x0  }
0x19: {  	s7 =	sld [smem:$0x3F97]  }
0x1a: {  	s8 =	sadd.s32 $0xFFFFE003, lr  }
0x1b: {  	s9 =	sadd.s32 $0xFFFFFEF7, lr;
	s5 =	simm.s32 $0xFFFFFFFF;
	p2 =	slt.u32 s8, $0xFFFFF086  }
0x1c: {  	p1 =	slt.u32 s9, $0xF7A;
	s5 =	simm.s32 @!p2 $0x0  }
0x1d: {  	s5 =	simm.s32 @p1 $0x1;
	p0 =	seq.s32 s7, s2  }
0x1e: {  	s7 =	smul.u32 @!p0 $0xF7A, s2;
	p2 =	seq.s32 @!p0 s5, $0x0  }
0x1f: {  	s9 =	smul.u32 $0xF7A, s1;
	s8 =	simm.s32 @!p0 $0x1BF5;
	p2 =	por !p2, p0  }
0x20: {  	[sflag:s8] =	ssyncset.s32 @!p0 $0xFFFFF086;
	s6 =	sadd.s32 @!p0 s3, s7;
	s7 =	simm.s32 @!p0 $0x108  }
0x21: {  	s3 =	sadd.s32 s3, s9;
	s6 =	sadd.s32 @!p0 $0x88, s6;
	s7 =	simm.s32 @p2 $0x1082  }
0x22: {  	[simem:s7], [sflag:s8] =	dma.local @!p0 [hbm:s6], $0xF7A  }
0x23: {  	s9 =	sor.u32 $0xD0000000, s2;
	s6 =	simm.s32 $0x108;
	_ =	swait.ge @!p0 [sflag:s8], $0x0  }
0x24: {  	s3 =	sadd.s32 $0x88, s3;
	s6 =	simm.s32 @!p1 $0x1082;
	[sflag:s4] =	ssyncset.s32 $0xFFFFF086  }
0x25: {  	[simem:s6], [sflag:s4] =	dma.local [hbm:s3], $0xF7A  }
0x26: {  	[smem:$0x3F97] =	sst s1;
	(tag) =	ssettag s2;
	_ =	strace s9  }
0x27: {  	s1 =	sld [smem:$0x3FA7]  }
0x28: {  	s2 =	sld [smem:$0x3FA8]  }
0x29: {  	s4 =	sld [smem:$0x3FAA]  }
0x2a: {  	p0 =	seq.s32 s5, $0x0;
	s5 =	sld [smem:$0x3FAB]  }
0x2b: {  	s6 =	sld [smem:$0x3FAC]  }
0x2c: {  	s7 =	sld [smem:$0x3FAD]  }
0x2d: {  	s3 =	simm.s32 $0x108;
	s8 =	sld [smem:$0x3FAE]  }
0x2e: {  	s3 =	simm.s32 @!p0 $0x1082;
	s9 =	sld [smem:$0x3FAF]  }
0x2f: {  	lr =	sadd.s32 s0, s3;
	s0 =	sld [smem:$0x3FA6]  }
0x30: {  	s3 =	sld [smem:$0x3FA9]  }
0x31: {  	[smem:$0x3FB2] =	sst s10  }
0x32: {  	s10 =	sld [smem:$0x3FB0];
	_ =	sdelay $0x3  }
0x33: {  	p0 =	seq.s32 s10, $0x1;
	s10 =	sld [smem:$0x3FB2];
	_ =	sdelay $0x3  }
0x34: {  	[smem:$0x3FB2] =	sst s10  }
0x35: {  	s10 =	sld [smem:$0x3FB1];
	_ =	sdelay $0x3  }
0x36: {  	p1 =	seq.s32 s10, $0x1;
	s10 =	sld [smem:$0x3FB2];
	_ =	sdelay $0x3  }
0x37: {  	[smem:$0x3FB2] =	sst s10  }
0x38: {  	s10 =	sld [smem:$0x3FB3]  }
0x39: {  	_ = 	snop;
	(pc) =	sbr.ind lr, $3  }
0x3a: {  	_ = 	snop  }
0x3b: {  	_ = 	snop  }
0x3c: {  	p2 =	seq.s32 s10, $0x1;
	s10 =	sld [smem:$0x3FB2]  }
0x3d: {  	_ =	shalt  }
0x3e: {  	_ =	shalt  }
0x3f: {  	_ =	shalt  }
0x40: {  	_ =	shalt  }
0x41: {  	_ =	shalt  }
0x42: {  	_ =	shalt  }
0x43: {  	_ =	shalt  }
0x44: {  	_ =	shalt  }
0x45: {  	_ =	shalt  }
0x46: {  	_ =	shalt  }
0x47: {  	_ =	shalt  }
0x48: {  	_ =	shalt  }
0x49: {  	_ =	shalt  }
0x4a: {  	_ =	shalt  }
0x4b: {  	_ =	shalt  }
0x4c: {  	_ =	shalt  }
0x4d: {  	_ =	shalt  }
0x4e: {  	_ =	shalt  }
0x4f: {  	_ =	shalt  }
0x50: {  	_ =	shalt  }
0x51: {  	_ =	shalt  }
0x52: {  	_ =	shalt  }
0x53: {  	_ =	shalt  }
0x54: {  	_ =	shalt  }
0x55: {  	_ =	shalt  }
0x56: {  	_ =	shalt  }
0x57: {  	_ =	shalt  }
0x58: {  	_ =	shalt  }
0x59: {  	_ =	shalt  }
0x5a: {  	_ =	shalt  }
0x5b: {  	_ =	shalt  }
0x5c: {  	_ =	shalt  }
0x5d: {  	_ =	shalt  }
0x5e: {  	_ =	shalt  }
0x5f: {  	_ =	shalt  }
0x60: {  	_ =	shalt  }
0x61: {  	_ =	shalt  }
0x62: {  	_ =	shalt  }
0x63: {  	_ =	shalt  }
0x64: {  	_ =	shalt  }
0x65: {  	_ =	shalt  }
0x66: {  	_ =	shalt  }
0x67: {  	_ =	shalt  }
0x68: {  	_ =	shalt  }
0x69: {  	_ =	shalt  }
0x6a: {  	_ =	shalt  }
0x6b: {  	_ =	shalt  }
0x6c: {  	_ =	shalt  }
0x6d: {  	_ =	shalt  }
0x6e: {  	_ =	shalt  }
0x6f: {  	_ =	shalt  }
0x70: {  	_ =	shalt  }
0x71: {  	_ =	shalt  }
0x72: {  	_ =	shalt  }
0x73: {  	_ =	shalt  }
0x74: {  	_ =	shalt  }
0x75: {  	_ =	shalt  }
0x76: {  	_ =	shalt  }
0x77: {  	_ =	shalt  }
0x78: {  	_ =	shalt  }
0x79: {  	_ =	shalt  }
0x7a: {  	_ =	shalt  }
0x7b: {  	_ =	shalt  }
0x7c: {  	_ =	shalt  }
0x7d: {  	_ =	shalt  }
0x7e: {  	_ =	shalt  }
0x7f: {  	_ =	shalt  }
0x80: {  	_ =	shalt  }
0x81: {  	_ =	shalt  }
0x82: {  	_ =	shalt  }
0x83: {  	_ =	shalt  }
0x84: {  	_ =	shalt  }
0x85: {  	_ =	shalt  }
0x86: {  	_ =	shalt  }
0x87: {  	_ =	shalt  }
.Lfunc_end0:
.L_simem_size_0:
called_computation_lowered:
.L_overlay_start_0:
0x88: {  	s2 =	sld [smem:$0x3FD9]  }
0x89: {  	s3 =	sld [smem:$0x3FFE];
	_ =	sdelay $0x1  }
0x8a: {  	s1 =	srdreg.scid  }
0x8b: {  	s0 =	sand.u32 $0x1, s1  }
0x8c: {  	s14 =	sshll.u32 s0, $0xA;
	s2 =	sadd.s32 s3, s2  }
0x8d: {  	s2 =	sadd.s32 s2, s14  }
0x8e: {  	[smem:$0x3FBE] =	sst s2  }
0x8f: {  	_ = 	snop  }
0x90: {  	s2 =	sld [smem:$0x3FD0];
	_ =	sdelay $0x2  }
0x91: {  	s4 =	simm.s32 $0xA;
	s5 =	simm.s32 $0x10;
	s15 =	sld [smem:$0x3FC4]  }
0x92: {  	[smem:s5], [sflag:s4] =	dma.local [hbm:s2], $0x1  }
0x93: {  	_ =	swait.eq [sflag:s4], $0x1  }
0x94: {  	[sflag:s4] =	ssyncset.done $0x0  }
0x95: {  	[sflag:s4] =	ssyncadd.s32 $0xFFFFFFFF  }
0x96: {  	s16 =	sld [smem:$0x10];
	(tm) =	ssettm $0x1  }
0x97: {  	s17 =	sld [smem:$0x3FFB];
	_ =	sdelay $0x3  }
0x98: {  	_ =	strace s17  }
0x99: {  	s4 =	sld [smem:$0x3FFC];
	_ =	sdelay $0x3  }
0x9a: {  	_ =	strace s4  }
0x9b: {  	s4 =	sld [smem:$0x3FFD];
	_ =	sdelay $0x3  }
0x9c: {  	_ =	strace s4  }
0x9d: {  	_ =	strace $0x8FFFFFFF  }
0x9e: {  	s18 =	sld [smem:$0x3FDB];
	_ =	sdelay $0x1  }
0x9f: {  	s19 =	simm.s32 $_scs_section_size  }
0xa0: {  	s6 =	simm.s32 $_size__tile_overlayer_lowered;
	s7 =	simm.s32 $_tile_overlayer_lowered  }
0xa1: {  	s22 =	simm.s32 $0x1BFF;
	s21 =	sshll.u32 s7, $0x1;
	s4 =	sadd.s32 s19, s18  }
0xa2: {  	s8 =	simm.s32 $0x0;
	s20 =	sshll.u32 s6, $0x1;
	s6 =	sadd.s32 s21, s4  }
0xa3: {  	[timem:s8], [sflag:s22] =	dma.local [hbm:s6], s20  }
0xa4: {  	_ =	swait.ge [sflag:s22], s20  }
0xa5: {  	s5 =	ssub.s32 $0x0, s20;
	[sflag:s22] =	ssyncset.done $0x0  }
0xa6: {  	[sflag:s22] =	ssyncadd.s32 s5;
	_ =	sdelay $0x1  }
0xa7: {  	s23 =	simm.s32 $0x1B8B  }
0xa8: {  	_ =	swait.ge [sflag:s23], $0x1  }
0xa9: {  	[sflag:s23] =	ssyncset.done $0x0  }
0xaa: {  	s25 =	simm.s32 $0x1B8E;
	s24 =	sld [smem:$0x3FFE];
	[sflag:s23] =	ssyncadd.s32 $0xFFFFFFFF  }
0xab: {  	s26 =	simm.s32 $execute0_lowered;
	[smem:$0x3FD2] =	sst s25  }
0xac: {  	s6 =	sshll.u32 s26, $0x1;
	_ =	strace $0x80000046;
	[dreg:$0x1] =	wrdreg $0xFFFFFFFF  }
0xad: {  	s28 =	simm.s32 $_size_execute0_lowered;
	s4 =	sadd.s32 s4, s6;
	[dreg:$0x0] =	wrdreg $0x0  }
0xae: {  	s6 =	sshll.u32 s28, $0x1;
	[dreg:$0x2] =	wrdreg s4  }
0xaf: {  	[dreg:$0x3] =	wrdreg s6  }
0xb0: {  	[dreg:$0x4] =	wrdreg $0xC0  }
0xb1: {  	_ =	task [dreg:s8], $0x5FFFF  }
0xb2: {  	[dreg:$0x1] =	wrdreg $0xFFFFFFFF  }
0xb3: {  	[dreg:$0x0] =	wrdreg $0x60  }
0xb4: {  	[dreg:$0x2] =	wrdreg s15  }
0xb5: {  	[dreg:$0x3] =	wrdreg s24  }
0xb6: {  	[dreg:$0x4] =	wrdreg s16  }
0xb7: {  	[dreg:$0x5] =	wrdreg $0x9  }
0xb8: {  	_ =	task.clear_ibuf [dreg:s8], $0x6FFFF;
	_ =	strace $0x90000046  }
0xb9: {  	s29 =	simm.s32 $0x9;
	_ =	strace $0x80000048  }
0xba: {  	_ =	swait.ge [sflag:s29], $0x1  }
0xbb: {  	[sflag:s29] =	ssyncadd.s32 $0xFFFFFFFF  }
0xbc: {  	_ =	strace $0x90000048  }
0xbd: {  	_ =	sfence  }
0xbe: {  	s30 =	sld [smem:$0x0];
	_ =	sdelay $0x2  }
0xbf: {  	s31 =	sshll.u32 s1, $0xD;
	s1 =	sshrl.u32 s1, $0x2  }
0xc0: {  	s3 =	sand.u32 $0x4000, s31;
	s1 =	sadd.s32 s1, s30  }
0xc1: {  	s0 =	sor.u32 s3, s0;
	s1 =	sshll.u32 s1, $0x11  }
0xc2: {  	s0 =	sor.u32 s1, s0  }
0xc3: {  	s0 =	sadd.s32 $0x8F2B, s0  }
0xc4: {  	[sflag:s0] =	ssyncadd.remote.s32 $0x1  }
0xc5: {  	_ =	sfence.sel $0xFFFF  }
0xc6: {  	[dreg:$0x0] =	wrdreg $0xFFFFFFFF;
	(pc) =	sbr.abs _section_cstart, $3  }
0xc7: {  	[dreg:$0x1] =	wrdreg $0xFFFFFFFF  }
0xc8: {  	_ =	task.clear_ibuf [dreg:s8], $0x2FFFF;
	_ =	strace $0x9FFFFFFF  }
0xc9: {  	(tm) =	ssettm $0x7FFFFFFF  }
tec
execute0_lowered:
.L_overlay_start_1:
0x0: {  	(tag) =	ssettag $0x1  }
0x1: {  	s1 =	rddreg [dreg:$0x0]  }
0x2: {  	s4 =	rddreg [dreg:$0x1]  }
0x3: {  	s5 =	rddreg [dreg:$0x2];
	s3 =	srdreg.scid  }
0x4: {  	s0 =	rddreg [dreg:$0x3];
	s2 =	stileid.u32;
	s10 =	simm.s32 $0x1080  }
0x5: {  	s11 =	simm.s32 $0x1880;
	s12 =	simm.s32 $0x2080;
	s13 =	simm.s32 $0x2880  }
0x6: {  	s14 =	simm.s32 $0x3080;
	s15 =	simm.s32 $0x3880;
	s16 =	simm.s32 $0x4080  }
0x7: {  	s17 =	simm.s32 $0x4880;
	s18 =	simm.s32 $0x5080;
	s19 =	simm.s32 $0x5880  }
0x8: {  	s20 =	simm.s32 $0x6080;
	s21 =	simm.s32 $0x6880;
	s22 =	simm.s32 $0x7080  }
0x9: {  	s23 =	simm.s32 $0x7880;
	s24 =	simm.s32 $0x1;
	s6 =	sand.u32 $0x1, s3  }
0xa: {  	s3 =	simm.s32 $0x0;
	s7 =	sshll.u32 s2, $0x8;
	s8 =	sshll.u32 s6, $0x7  }
0xb: {  	[smem:$0x7FF] =	sst s3;
	s6 =	ssub.s32 $0x2, s6;
	s7 =	sor.u32 s8, s7  }
0xc: {  	_ =	strace $0x80000047;
	s9 =	sshrl.u32 s6, $0x1;
	s8 =	sshrl.u32 s7, $0x3  }
0xd: {  	v2 =	vlaneseq.u32;
	s6 =	ssub.s32 s6, s9;
	s7 =	sshll.u32 s7, $0x5;
	s9 =	simm.s32 $0x880  }
0xe: {  	vm0 =	vmmov $0xffff;
	v1 =	vshrl.u32 v2, $0x3;
	s4 =	sadd.s32 s8, s4;
	s5 =	sadd.s32 s5, s7;
	s6 =	smax.u32 s6, $0x1  }
0xf: {  	v0 =	vand.u32 $0x7, v2;
	v2 =	vor.u32 $0x8, v2;
	v1 =	vmul.u32 $0x8, v1;
	s7 =	simm.s32 $0x2;
	s8 =	simm.s32 $0x80;
	s4 =	sadd.s32 $0xA00, s4  }
.LBB2_1:
0x10: {  	[tilespmem:s3], [sflag:$0x2] =	stream.linear.gather [hbm4b:s4+s3], $0x80, $0x38;
	[tilespmem:$0x8080] =	vst v63  }
0x11: {  	_ =	swait.ge [sflag:s7], $0x80  }
0x12: {  	[sflag:s7] =	ssyncset.done $0x0  }
0x13: {  	[sflag:s7] =	ssyncadd.s32 $0xFFFFFF80  }
0x14: {  	v3 =	vld [tilespmem:$0x0];
	_ =	sdelay $0x4  }
0x15: {  	v4 =	vshll.u32 v3, $0x1  }
0x16: {  	v3 =	vand.u32 $0x7, v3;
	v4 =	vand.u32 $0xFFFFFFF0, v4  }
0x17: {  	v3 =	vor.u32 v3, v4  }
0x18: {  	v4 =	vperm.xlane v3, v0;
	_ =	sdelay $0x1  }
0x19: {  	v3 =	vperm.xlane v3, v2;
	v4 =	vadd.s32 v1, v4;
	_ =	sdelay $0x1  }
0x1a: {  	v3 =	vadd.s32 v1, v3;
	_ =	sdelay $0x2  }
0x1b: {  	[tilespmem:s8], [sflag:$0x1] =	stream.indirect_vreg.gather [hbm4b:s1+s3], $0x80, v4, vm0, $0xb8;
	[tilespmem:$0x8080] =	vst v63  }
0x1c: {  	_ = 	snop  }
0x1d: {  	[tilespmem:s9], [sflag:$0x1] =	stream.indirect_vreg.gather [hbm4b:s1+s3], $0x80, v3, vm0, $0xb8;
	[tilespmem:$0x8080] =	vst v63  }
0x1e: {  	v3 =	vld [tilespmem:$0x10];
	_ =	sdelay $0x4  }
0x1f: {  	v57 =	vshll.u32 v3, $0x1  }
0x20: {  	v3 =	vand.u32 $0x7, v3;
	v4 =	vand.u32 $0xFFFFFFF0, v57  }
0x21: {  	v3 =	vor.u32 v3, v4  }
0x22: {  	v4 =	vperm.xlane v3, v0;
	_ =	sdelay $0x1  }
0x23: {  	v3 =	vperm.xlane v3, v2;
	v4 =	vadd.s32 v1, v4;
	_ =	sdelay $0x1  }
0x24: {  	v3 =	vadd.s32 v1, v3;
	_ =	sdelay $0x2  }
0x25: {  	[tilespmem:s10], [sflag:$0x1] =	stream.indirect_vreg.gather [hbm4b:s1+s3], $0x80, v4, vm0, $0xb8;
	[tilespmem:$0x8080] =	vst v63  }
0x26: {  	_ = 	snop  }
0x27: {  	[tilespmem:s11], [sflag:$0x1] =	stream.indirect_vreg.gather [hbm4b:s1+s3], $0x80, v3, vm0, $0xb8;
	[tilespmem:$0x8080] =	vst v63  }
0x28: {  	v3 =	vld [tilespmem:$0x20];
	_ =	sdelay $0x4  }
0x29: {  	v58 =	vshll.u32 v3, $0x1  }
0x2a: {  	v3 =	vand.u32 $0x7, v3;
	v4 =	vand.u32 $0xFFFFFFF0, v58  }
0x2b: {  	v3 =	vor.u32 v3, v4  }
0x2c: {  	v4 =	vperm.xlane v3, v0;
	_ =	sdelay $0x1  }
0x2d: {  	v3 =	vperm.xlane v3, v2;
	v4 =	vadd.s32 v1, v4;
	_ =	sdelay $0x1  }
0x2e: {  	v3 =	vadd.s32 v1, v3;
	_ =	sdelay $0x2  }
0x2f: {  	[tilespmem:s12], [sflag:$0x1] =	stream.indirect_vreg.gather [hbm4b:s1+s3], $0x80, v4, vm0, $0xb8;
	[tilespmem:$0x8080] =	vst v63  }
0x30: {  	_ = 	snop  }
0x31: {  	[tilespmem:s13], [sflag:$0x1] =	stream.indirect_vreg.gather [hbm4b:s1+s3], $0x80, v3, vm0, $0xb8;
	[tilespmem:$0x8080] =	vst v63  }
0x32: {  	v3 =	vld [tilespmem:$0x30];
	_ =	sdelay $0x4  }
0x33: {  	v59 =	vshll.u32 v3, $0x1  }
0x34: {  	v3 =	vand.u32 $0x7, v3;
	v4 =	vand.u32 $0xFFFFFFF0, v59  }
0x35: {  	v3 =	vor.u32 v3, v4  }
0x36: {  	v4 =	vperm.xlane v3, v0;
	_ =	sdelay $0x1  }
0x37: {  	v3 =	vperm.xlane v3, v2;
	v4 =	vadd.s32 v1, v4;
	_ =	sdelay $0x1  }
0x38: {  	v3 =	vadd.s32 v1, v3;
	_ =	sdelay $0x2  }
0x39: {  	[tilespmem:s14], [sflag:$0x1] =	stream.indirect_vreg.gather [hbm4b:s1+s3], $0x80, v4, vm0, $0xb8;
	[tilespmem:$0x8080] =	vst v63  }
0x3a: {  	_ = 	snop  }
0x3b: {  	[tilespmem:s15], [sflag:$0x1] =	stream.indirect_vreg.gather [hbm4b:s1+s3], $0x80, v3, vm0, $0xb8;
	[tilespmem:$0x8080] =	vst v63  }
0x3c: {  	v3 =	vld [tilespmem:$0x40];
	_ =	sdelay $0x4  }
0x3d: {  	v60 =	vshll.u32 v3, $0x1  }
0x3e: {  	v3 =	vand.u32 $0x7, v3;
	v4 =	vand.u32 $0xFFFFFFF0, v60  }
0x3f: {  	v3 =	vor.u32 v3, v4  }
0x40: {  	v4 =	vperm.xlane v3, v0;
	_ =	sdelay $0x1  }
0x41: {  	v3 =	vperm.xlane v3, v2;
	v4 =	vadd.s32 v1, v4;
	_ =	sdelay $0x1  }
0x42: {  	v3 =	vadd.s32 v1, v3;
	_ =	sdelay $0x2  }
0x43: {  	[tilespmem:s16], [sflag:$0x1] =	stream.indirect_vreg.gather [hbm4b:s1+s3], $0x80, v4, vm0, $0xb8;
	[tilespmem:$0x8080] =	vst v63  }
0x44: {  	_ = 	snop  }
0x45: {  	[tilespmem:s17], [sflag:$0x1] =	stream.indirect_vreg.gather [hbm4b:s1+s3], $0x80, v3, vm0, $0xb8;
	[tilespmem:$0x8080] =	vst v63  }
0x46: {  	v3 =	vld [tilespmem:$0x50];
	_ =	sdelay $0x4  }
0x47: {  	v61 =	vshll.u32 v3, $0x1  }
0x48: {  	v3 =	vand.u32 $0x7, v3;
	v4 =	vand.u32 $0xFFFFFFF0, v61  }
0x49: {  	v3 =	vor.u32 v3, v4  }
0x4a: {  	v4 =	vperm.xlane v3, v0;
	_ =	sdelay $0x1  }
0x4b: {  	v3 =	vperm.xlane v3, v2;
	v4 =	vadd.s32 v1, v4;
	_ =	sdelay $0x1  }
0x4c: {  	v3 =	vadd.s32 v1, v3;
	_ =	sdelay $0x2  }
0x4d: {  	[tilespmem:s18], [sflag:$0x1] =	stream.indirect_vreg.gather [hbm4b:s1+s3], $0x80, v4, vm0, $0xb8;
	[tilespmem:$0x8080] =	vst v63  }
0x4e: {  	_ = 	snop  }
0x4f: {  	[tilespmem:s19], [sflag:$0x1] =	stream.indirect_vreg.gather [hbm4b:s1+s3], $0x80, v3, vm0, $0xb8;
	[tilespmem:$0x8080] =	vst v63  }
0x50: {  	v3 =	vld [tilespmem:$0x60];
	_ =	sdelay $0x4  }
0x51: {  	v62 =	vshll.u32 v3, $0x1  }
0x52: {  	v3 =	vand.u32 $0x7, v3;
	v4 =	vand.u32 $0xFFFFFFF0, v62  }
0x53: {  	v3 =	vor.u32 v3, v4  }
0x54: {  	v4 =	vperm.xlane v3, v0;
	_ =	sdelay $0x1  }
0x55: {  	v3 =	vperm.xlane v3, v2;
	v4 =	vadd.s32 v1, v4;
	_ =	sdelay $0x1  }
0x56: {  	v3 =	vadd.s32 v1, v3;
	_ =	sdelay $0x2  }
0x57: {  	[tilespmem:s20], [sflag:$0x1] =	stream.indirect_vreg.gather [hbm4b:s1+s3], $0x80, v4, vm0, $0xb8;
	[tilespmem:$0x8080] =	vst v63  }
0x58: {  	_ = 	snop  }
0x59: {  	[tilespmem:s21], [sflag:$0x1] =	stream.indirect_vreg.gather [hbm4b:s1+s3], $0x80, v3, vm0, $0xb8;
	[tilespmem:$0x8080] =	vst v63  }
0x5a: {  	v3 =	vld [tilespmem:$0x70];
	_ =	sdelay $0x4  }
0x5b: {  	v63 =	vshll.u32 v3, $0x1  }
0x5c: {  	v3 =	vand.u32 $0x7, v3;
	v4 =	vand.u32 $0xFFFFFFF0, v63  }
0x5d: {  	v3 =	vor.u32 v3, v4  }
0x5e: {  	v4 =	vperm.xlane v3, v0;
	_ =	sdelay $0x1  }
0x5f: {  	v3 =	vperm.xlane v3, v2;
	v4 =	vadd.s32 v1, v4;
	_ =	sdelay $0x1  }
0x60: {  	v3 =	vadd.s32 v1, v3;
	_ =	sdelay $0x2  }
0x61: {  	[tilespmem:s22], [sflag:$0x1] =	stream.indirect_vreg.gather [hbm4b:s1+s3], $0x80, v4, vm0, $0xb8;
	[tilespmem:$0x8080] =	vst v63  }
0x62: {  	_ = 	snop  }
0x63: {  	[tilespmem:s23], [sflag:$0x1] =	stream.indirect_vreg.gather [hbm4b:s1+s3], $0x80, v3, vm0, $0xb8;
	[tilespmem:$0x8080] =	vst v63  }
0x64: {  	_ =	swait.ge [sflag:s24], $0x8000  }
0x65: {  	p0 =	sne.s32 s6, $0x1;
	[sflag:s24] =	ssyncset.done $0x0  }
.Ltmp0:
0x66: {  	[sflag:s24] =	ssyncadd.s32 $0xFFFF8000;
	(pc) =	sbr.rel @p0 .LBB2_1-.Ltmp0, $4  }
0x67: {  	[hbm4b:s5+s3] =	stream.linear.scatter [tilespmem:s8], [sflag:$0x2], $0x8000, $0x38;
	[tilespmem:$0x8080] =	vst v63  }
0x68: {  	_ =	swait.ge [sflag:s7], $0x8000  }
0x69: {  	[sflag:s7] =	ssyncset.done $0x0  }
0x6a: {  	s6 =	sadd.s32 $0xFFFFFFFF, s6;
	[sflag:s7] =	ssyncadd.s32 $0xFFFF8000  }
0x6b: {  	_ =	sfence.sel $0x180000  }
0x6c: {  	[bflag:$0x0] =	sbarrier.arrive $0xFFFF  }
0x6d: {  	p0 =	sne.s32 s2, $0x0;
	_ =	strace $0x90000047  }
0x6e: {  	s0 =	sadd.s32 @!p0 $0x100000, s0;
	[bflag:$0x2] =	sbarrier.arrive $0xFFFF  }
0x6f: {  	[sflag:s0] =	ssyncadd.tile.s32 @!p0 $0x1;
	_ =	shalt  }
.Lfunc_end2:
_tile_overlayer_lowered:
.L_overlay_start_2:
0x70: {  	(tag) =	ssettag $0x2  }
0x71: {  	s0 =	rddreg [dreg:$0x0];
	s2 =	stileid.u32  }
0x72: {  	s1 =	rddreg [dreg:$0x1];
	p0 =	sne.s32 s2, $0x0  }
0x73: {  	s3 =	rddreg [dreg:$0x2];
	[bflag:$0x3] =	sbarrier.arrive $0xFFFF;
	s2 =	simm.s32 @!p0 $0x1C02  }
0x74: {  	[timem:s3], [sflag:s2] =	dma.local @!p0 [hbm:s0], s1  }
0x75: {  	s0 =	simm.s32 @!p0 $0x2  }
0x76: {  	_ =	swait.ge @!p0 [sflag:s0], s1  }
0x77: {  	s1 =	ssub.s32 @!p0 $0x0, s1;
	[sflag:s0] =	ssyncset.done @!p0 $0x0  }
0x78: {  	[sflag:s0] =	ssyncadd.s32 @!p0 s1  }
0x79: {  	[bflag:$0x3] =	sbarrier.arrive $0xFFFF  }
0x7a: {  	_ =	shalt  }

</sc_bundles>
